<compile_context>
chip_gen: v7x
topology: tpu7x:2x2x1
jax: 0.10.2.dev20260603
libtpu: 0.0.44.dev20260713+nightly
codegen_flags: <defaults>
</compile_context>

<pallas_src>
import functools

import jax
import jax.numpy as jnp
from jax import lax
from jax.experimental import pallas as pl
from jax.experimental.pallas import tpu as pltpu
from jax.experimental.pallas import tpu_sc as plsc

NC = 2
NS = 16
D = 16
CHUNK = 2000


def _segment_sum_sc(bonds, src, nbr, n_nodes):
    n_edges = src.shape[0]
    n_workers = NC * NS
    epw = n_edges // n_workers
    n_chunks = epw // CHUNK
    n_pad = ((n_nodes + NS * 8 - 1) // (NS * 8)) * (NS * 8)
    rows_per_tile = n_pad // NS

    mesh = plsc.VectorSubcoreMesh(core_axis_name="c", subcore_axis_name="s",
                                  num_cores=NC, num_subcores=NS)

    @functools.partial(
        pl.kernel,
        out_type=jax.ShapeDtypeStruct((NC, n_pad, D), jnp.float32),
        mesh=mesh,
        compiler_params=pltpu.CompilerParams(use_tc_tiling_on_sc=False,
                                             needs_layout_passes=False),
        scratch_types=[
            pltpu.VMEM((CHUNK,), jnp.int32),
            pltpu.VMEM((CHUNK,), jnp.int32),
            pltpu.VMEM((CHUNK,), jnp.int32),
            pltpu.VMEM((CHUNK,), jnp.int32),
            pltpu.VMEM((CHUNK, D), jnp.float32),
            pltpu.VMEM((CHUNK, D), jnp.float32),
            pltpu.VMEM_SHARED((n_pad, D), jnp.float32),
            pltpu.SemaphoreType.DMA,
            pltpu.SemaphoreType.DMA,
        ],
    )
    def seg_kernel(bonds_hbm, src_hbm, nbr_hbm, out_hbm,
                   nbr_v0, nbr_v1, src_v0, src_v1, rows_v0, rows_v1,
                   acc_sh, sem0, sem1):
        nbr_vs = (nbr_v0, nbr_v1)
        src_vs = (src_v0, src_v1)
        rows_vs = (rows_v0, rows_v1)
        sems = (sem0, sem1)
        c = lax.axis_index("c")
        s = lax.axis_index("s")
        r0 = s * rows_per_tile
        zero16 = jnp.zeros((16,), jnp.float32)

        def zfill(i, carry):
            rows_v0[i, :] = zero16
            return carry

        lax.fori_loop(0, rows_per_tile, zfill, 0)
        pltpu.sync_copy(rows_v0.at[pl.ds(0, rows_per_tile)],
                        acc_sh.at[pl.ds(r0, rows_per_tile)])
        plsc.subcore_barrier()
        base0 = (c * NS + s) * epw

        def load_and_gather(k):
            b = k % 2
            base = base0 + k * CHUNK
            pltpu.sync_copy(nbr_hbm.at[pl.ds(base, CHUNK)], nbr_vs[b])
            pltpu.sync_copy(src_hbm.at[pl.ds(base, CHUNK)], src_vs[b])
            return pltpu.async_copy(bonds_hbm.at[nbr_vs[b]], rows_vs[b],
                                    sems[b])

        gather = load_and_gather(0)
        for k in range(n_chunks):
            b = k % 2
            nxt = load_and_gather(k + 1) if k + 1 < n_chunks else None
            gather.wait()
            pltpu.sync_copy(rows_vs[b], acc_sh.at[src_vs[b]], add=True)
            gather = nxt
        plsc.subcore_barrier()
        pltpu.sync_copy(acc_sh.at[pl.ds(r0, rows_per_tile)],
                        out_hbm.at[c, pl.ds(r0, rows_per_tile)])

    return seg_kernel(bonds, src, nbr)


def _dense_tc(atoms, partials, kernel_w, bias2d, wn, wi):
    n = atoms.shape[0]
    hid = wn.shape[0]
    blk = 2000
    grid = n // blk

    def body(atoms_ref, p_ref, kw_ref, bias_ref, wn_ref, wi_ref,
             out_ref):
        a = jnp.dot(atoms_ref[...], kw_ref[...],
                    preferred_element_type=jnp.float32) + bias_ref[...]
        bond = p_ref[0] + p_ref[1]
        rj = lax.broadcasted_iota(jnp.int32, (D, D * D), 0)
        ct = lax.broadcasted_iota(jnp.int32, (D, D * D), 1)
        t_mat = (ct % D == rj).astype(jnp.float32)
        cs = lax.broadcasted_iota(jnp.int32, (D * D, D), 0)
        ri = lax.broadcasted_iota(jnp.int32, (D * D, D), 1)
        s_mat = (cs // D == ri).astype(jnp.float32)
        t = jnp.dot(bond, t_mat, preferred_element_type=jnp.float32)
        agg = jnp.dot(a * t, s_mat, preferred_element_type=jnp.float32)
        nodes = lax.dot_general(agg, wn_ref[...], (((1,), (1,)), ((), ())),
                                preferred_element_type=jnp.float32)
        edges = jnp.maximum(
            lax.dot_general(bond, wi_ref[...], (((1,), (1,)), ((), ())),
                            preferred_element_type=jnp.float32), 0.0)
        out_ref[...] = jnp.maximum(nodes + edges, 0.0)

    return pl.pallas_call(
        body,
        grid=(grid,),
        in_specs=[
            pl.BlockSpec((blk, D), lambda g: (g, 0)),
            pl.BlockSpec((NC, blk, D), lambda g: (0, g, 0)),
            pl.BlockSpec((D, D * D), lambda g: (0, 0)),
            pl.BlockSpec((1, D * D), lambda g: (0, 0)),
            pl.BlockSpec((hid, D), lambda g: (0, 0)),
            pl.BlockSpec((hid, D), lambda g: (0, 0)),
        ],
        out_specs=pl.BlockSpec((blk, hid), lambda g: (g, 0)),
        out_shape=jax.ShapeDtypeStruct((n, hid), jnp.float32),
    )(atoms, partials, kernel_w, bias2d, wn, wi)


def kernel(atoms, bonds, pairs, kernel, bias, weight_node, weight_node_inp):
    n = atoms.shape[0]
    src = pairs[:, 0]
    nbr = pairs[:, 1]
    partials = _segment_sum_sc(bonds, src, nbr, n)
    result = _dense_tc(atoms, partials, kernel,
                       jnp.reshape(bias, (1, -1)), weight_node,
                       weight_node_inp)
    return (result, result, result, result)

# --- scband reference (transcript-rebuilt; emitter-appended) ---
"""Pipeline reference for scband-node-central-14405320311139 (READ-ONLY COPY).

The authoritative reference and input builder live on the scoring server;
editing this copy changes nothing except your own understanding.
"""

import jax, jax.numpy as jnp
import numpy as np

N_NODES = 10000
N_EDGES = 320000
D = 16
HID = 64
STEPS = 4


def setup_inputs(seed: int = 0) -> dict:
    key = jax.random.key(seed)
    k1, k2, k3, k4, k5, k6 = jax.random.split(key, 6)
    atoms = jax.random.normal(k1, (N_NODES, D), dtype=jnp.float32)
    bonds = jax.random.normal(k2, (N_EDGES, D), dtype=jnp.float32)
    pairs = jax.random.randint(k3, (N_EDGES, 2), 0, N_NODES, dtype=jnp.int32)
    kernel = jax.random.normal(k4, (D, D * D), dtype=jnp.float32) * (1.0 / np.sqrt(D))
    bias = jnp.zeros((D * D,), dtype=jnp.float32)
    weight_node = jax.random.normal(k5, (HID, D), dtype=jnp.float32) * (1.0 / np.sqrt(D))
    weight_node_inp = jax.random.normal(k6, (HID, D), dtype=jnp.float32) * (1.0 / np.sqrt(D))
    return {
        "atoms": atoms,
        "bonds": bonds,
        "pairs": pairs,
        "kernel": kernel,
        "bias": bias,
        "weight_node": weight_node,
        "weight_node_inp": weight_node_inp,
    }


def reference(atoms, bonds, pairs, kernel, bias, weight_node, weight_node_inp):
    n = atoms.shape[0]
    d = bonds.shape[-1]
    # per-node transformation matrices: atoms @ kernel + bias -> (N, d, d)
    a = jnp.matmul(atoms, kernel) + bias
    a = jnp.reshape(a, (-1, d, d))
    src = pairs[:, 0]
    nbr = pairs[:, 1]
    # gather bond features at neighbor index (as in original tf.gather(bonds, pairs[:,1]))
    bond_neighbor = jnp.take(bonds, nbr, axis=0)[..., None]  # (E, d, 1)
    # gather central-node matrices per edge (NodeCentral)
    a_src = jnp.take(a, src, axis=0)  # (E, d, d)
    trans = jnp.squeeze(jnp.matmul(a_src, bond_neighbor), axis=-1)  # (E, d)
    aggregate = jax.ops.segment_sum(trans, src, num_segments=n)  # (N, d)
    # per-node aggregation of raw bond features for the edge term
    bond_agg = jax.ops.segment_sum(jnp.take(bonds, nbr, axis=0), src, num_segments=n)  # (N, d)
    aggregated_values = []
    for _ in range(STEPS):
        nodes = jnp.matmul(aggregate, weight_node.T)  # (N, hid)
        edges = jax.nn.relu(jnp.matmul(bond_agg, weight_node_inp.T))  # (N, hid)
        result = jax.nn.relu(nodes + edges)
        aggregated_values.append(result)
    return tuple(aggregated_values)

if __name__ == "__main__":
    import jax
    _d = setup_inputs()
    print(jax.jit(kernel)(*tuple(_d.values())))

</pallas_src>

<mosaic_0001>
#map = affine_map<(d0, d1) -> (0, 0)>
#map1 = affine_map<(d0, d1) -> (0)>
#map2 = affine_map<(d0, d1) -> (0, 0, 0)>
module attributes {stable_mosaic.version = 14 : i64} {
  func.func @seg_kernel(%arg0: i32, %arg1: i32, %arg2: memref<320000x16xf32, #tpu.memory_space<hbm>>, %arg3: memref<320000xi32, #tpu.memory_space<hbm>>, %arg4: memref<320000xi32, #tpu.memory_space<hbm>>, %arg5: memref<2x10112x16xf32, #tpu.memory_space<hbm>>, %arg6: memref<2000xi32, #tpu.memory_space<vmem>>, %arg7: memref<2000xi32, #tpu.memory_space<vmem>>, %arg8: memref<2000xi32, #tpu.memory_space<vmem>>, %arg9: memref<2000xi32, #tpu.memory_space<vmem>>, %arg10: memref<2000x16xf32, #tpu.memory_space<vmem>>, %arg11: memref<2000x16xf32, #tpu.memory_space<vmem>>, %arg12: memref<10112x16xf32, #tpu.memory_space<vmem_shared>>, %arg13: memref<!tpu.dma_semaphore, #tpu.memory_space<semaphore_mem>>, %arg14: memref<!tpu.dma_semaphore, #tpu.memory_space<semaphore_mem>>) attributes {dimension_semantics = [#tpu.dimension_semantics<core_parallel>, #tpu.dimension_semantics<subcore_parallel>], iteration_bounds = array<i64: 2, 16>, scalar_prefetch = 0 : i64, scratch_operands = 9 : i64, tpu.core_type = #tpu.core_type<sc_vector_subcore>, window_params = [{transform_indices = #map}, {transform_indices = #map1}, {transform_indices = #map1}, {transform_indices = #map2}]} {
    %mul3A = arith.constant 632 : i32
    %mul3A_0 = arith.muli %arg1, %mul3A : i32
    %broadcast_in_dim3A = arith.constant 0.000000e+00 : f32
    %broadcast_in_dim3A_1 = vector.broadcast %broadcast_in_dim3A : f32 to vector<16xf32>
    %scan3A = arith.constant 0 : i32
    %scan3A_2 = arith.constant 0 : i32
    %scan3A_3 = arith.constant 632 : i32
    %scan3A_4 = arith.addi %scan3A_2, %scan3A_3 : i32
    %scan3A_5 = arith.constant 1 : i32
    scf.for %scan3A_50 = %scan3A_2 to %scan3A_4 step %scan3A_5  : i32 {
      %swap3A = arith.index_cast %scan3A_50 : i32 to index
      %swap3A_51 = arith.constant 0 : index
      %swap3A_52 = tpu.vector_load %arg10[%swap3A, %swap3A_51] {strides = array<i32>} : memref<2000x16xf32, #tpu.memory_space<vmem>>, vector<16xf32>,
      tpu.vector_store %arg10[%swap3A, %swap3A_51], %broadcast_in_dim3A_1 {strides = array<i32>} : memref<2000x16xf32, #tpu.memory_space<vmem>>, vector<16xf32>,
    }
    %scan3A_6 = arith.constant 632 : i32
    "tpu.region"() ({
      %run_scoped3A = tpu.sem_alloc : memref<!tpu.dma_semaphore, #tpu.memory_space<semaphore_mem>>
      %dma_start3A_50 = arith.constant 0 : i32
      %dma_start3A_51 = arith.constant 0 : i32
      %dma_start3A_52 = tpu.memref_slice %arg10[%dma_start3A_50, %dma_start3A_51] : memref<2000x16xf32, #tpu.memory_space<vmem>> -> memref<632x16xf32, #tpu.memory_space<vmem>>
      %dma_start3A_53 = arith.constant 0 : i32
      %dma_start3A_54 = tpu.memref_slice %arg12[%mul3A_0, %dma_start3A_53] : memref<10112x16xf32, #tpu.memory_space<vmem_shared>> -> memref<632x16xf32, #tpu.memory_space<vmem_shared>>
      %dma_start3A_55 = arith.constant 0 : i32
      %dma_start3A_56 = tpu.memref_slice %arg12[%mul3A_0, %dma_start3A_55] : memref<10112x16xf32, #tpu.memory_space<vmem_shared>> -> memref<632x16xf32, #tpu.memory_space<vmem_shared>>
      %dma_start3A_57 = arith.constant 0 : i32
      %dma_start3A_58 = arith.constant 0 : i32
      %dma_start3A_59 = tpu.memref_slice %arg10[%dma_start3A_57, %dma_start3A_58] : memref<2000x16xf32, #tpu.memory_space<vmem>> -> memref<632x16xf32, #tpu.memory_space<vmem>>
      tpu.enqueue_dma source(%dma_start3A_59 : memref<632x16xf32, #tpu.memory_space<vmem>>) target(%dma_start3A_56 : memref<632x16xf32, #tpu.memory_space<vmem_shared>>) target_semaphore(%run_scoped3A : memref<!tpu.dma_semaphore, #tpu.memory_space<semaphore_mem>>)
      %dma_wait3A_60 = arith.constant 0 : i32
      %dma_wait3A_61 = arith.constant 0 : i32
      %dma_wait3A_62 = tpu.memref_slice %arg10[%dma_wait3A_60, %dma_wait3A_61] : memref<2000x16xf32, #tpu.memory_space<vmem>> -> memref<632x16xf32, #tpu.memory_space<vmem>>
      %dma_wait3A_63 = arith.constant 0 : i32
      %dma_wait3A_64 = tpu.memref_slice %arg12[%mul3A_0, %dma_wait3A_63] : memref<10112x16xf32, #tpu.memory_space<vmem_shared>> -> memref<632x16xf32, #tpu.memory_space<vmem_shared>>
      %dma_wait3A_65 = arith.constant 0 : i32
      %dma_wait3A_66 = tpu.memref_slice %arg12[%mul3A_0, %dma_wait3A_65] : memref<10112x16xf32, #tpu.memory_space<vmem_shared>> -> memref<632x16xf32, #tpu.memory_space<vmem_shared>>
      %dma_wait3A_67 = arith.constant 0 : i32
      %dma_wait3A_68 = arith.constant 0 : i32
      %dma_wait3A_69 = tpu.memref_slice %arg10[%dma_wait3A_67, %dma_wait3A_68] : memref<2000x16xf32, #tpu.memory_space<vmem>> -> memref<632x16xf32, #tpu.memory_space<vmem>>
      tpu.wait_dma2 semaphore(%run_scoped3A : memref<!tpu.dma_semaphore, #tpu.memory_space<semaphore_mem>>) src(%dma_wait3A_69 : memref<632x16xf32, #tpu.memory_space<vmem>>) dst(%dma_wait3A_66 : memref<632x16xf32, #tpu.memory_space<vmem_shared>>)
      tpu.yield
    }) : () -> ()
    %barrier3A = arith.constant 0 : index
    tpu.barrier barrier_id(%barrier3A)
    %mul3A_7 = arith.constant 16 : i32
    %mul3A_8 = arith.muli %arg0, %mul3A_7 : i32
    %add3A = arith.addi %mul3A_8, %arg1 : i32
    %mul3A_9 = arith.constant 10000 : i32
    %mul3A_10 = arith.muli %add3A, %mul3A_9 : i32
    %add3A_11 = arith.constant 0 : i32
    %add3A_12 = arith.addi %mul3A_10, %add3A_11 : i32
    "tpu.region"() ({
      %run_scoped3A = tpu.sem_alloc : memref<!tpu.dma_semaphore, #tpu.memory_space<semaphore_mem>>
      %dma_start3A_50 = tpu.memref_slice %arg4[%add3A_12] : memref<320000xi32, #tpu.memory_space<hbm>> -> memref<2000xi32, #tpu.memory_space<hbm>>
      %dma_start3A_51 = tpu.memref_slice %arg4[%add3A_12] : memref<320000xi32, #tpu.memory_space<hbm>> -> memref<2000xi32, #tpu.memory_space<hbm>>
      tpu.enqueue_dma source(%dma_start3A_51 : memref<2000xi32, #tpu.memory_space<hbm>>) target(%arg6 : memref<2000xi32, #tpu.memory_space<vmem>>) target_semaphore(%run_scoped3A : memref<!tpu.dma_semaphore, #tpu.memory_space<semaphore_mem>>)
      %dma_wait3A_52 = tpu.memref_slice %arg4[%add3A_12] : memref<320000xi32, #tpu.memory_space<hbm>> -> memref<2000xi32, #tpu.memory_space<hbm>>
      %dma_wait3A_53 = tpu.memref_slice %arg4[%add3A_12] : memref<320000xi32, #tpu.memory_space<hbm>> -> memref<2000xi32, #tpu.memory_space<hbm>>
      tpu.wait_dma2 semaphore(%run_scoped3A : memref<!tpu.dma_semaphore, #tpu.memory_space<semaphore_mem>>) src(%dma_wait3A_53 : memref<2000xi32, #tpu.memory_space<hbm>>) dst(%arg6 : memref<2000xi32, #tpu.memory_space<vmem>>)
      tpu.yield
    }) : () -> ()
    "tpu.region"() ({
      %run_scoped3A = tpu.sem_alloc : memref<!tpu.dma_semaphore, #tpu.memory_space<semaphore_mem>>
      %dma_start3A_50 = tpu.memref_slice %arg3[%add3A_12] : memref<320000xi32, #tpu.memory_space<hbm>> -> memref<2000xi32, #tpu.memory_space<hbm>>
      %dma_start3A_51 = tpu.memref_slice %arg3[%add3A_12] : memref<320000xi32, #tpu.memory_space<hbm>> -> memref<2000xi32, #tpu.memory_space<hbm>>
      tpu.enqueue_dma source(%dma_start3A_51 : memref<2000xi32, #tpu.memory_space<hbm>>) target(%arg8 : memref<2000xi32, #tpu.memory_space<vmem>>) target_semaphore(%run_scoped3A : memref<!tpu.dma_semaphore, #tpu.memory_space<semaphore_mem>>)
      %dma_wait3A_52 = tpu.memref_slice %arg3[%add3A_12] : memref<320000xi32, #tpu.memory_space<hbm>> -> memref<2000xi32, #tpu.memory_space<hbm>>
      %dma_wait3A_53 = tpu.memref_slice %arg3[%add3A_12] : memref<320000xi32, #tpu.memory_space<hbm>> -> memref<2000xi32, #tpu.memory_space<hbm>>
      tpu.wait_dma2 semaphore(%run_scoped3A : memref<!tpu.dma_semaphore, #tpu.memory_space<semaphore_mem>>) src(%dma_wait3A_53 : memref<2000xi32, #tpu.memory_space<hbm>>) dst(%arg8 : memref<2000xi32, #tpu.memory_space<vmem>>)
      tpu.yield
    }) : () -> ()
    %dma_start3A = arith.constant 0 : i32
    %dma_start3A_13 = arith.constant 0 : i32
    %dma_start3A_14 = tpu.memref_slice %arg2[%dma_start3A, %dma_start3A_13] : memref<320000x16xf32, #tpu.memory_space<hbm>> -> memref<320000x16xf32, #tpu.memory_space<hbm>>
    tpu.enqueue_indirect_dma source(%dma_start3A_14 : memref<320000x16xf32, #tpu.memory_space<hbm>>) target(%arg10 : memref<2000x16xf32, #tpu.memory_space<vmem>>) offsets(%arg6 : memref<2000xi32, #tpu.memory_space<vmem>>) semaphore(%arg13 : memref<!tpu.dma_semaphore, #tpu.memory_space<semaphore_mem>>)
    %add3A_15 = arith.constant 2000 : i32
    %add3A_16 = arith.addi %mul3A_10, %add3A_15 : i32
    "tpu.region"() ({
      %run_scoped3A = tpu.sem_alloc : memref<!tpu.dma_semaphore, #tpu.memory_space<semaphore_mem>>
      %dma_start3A_50 = tpu.memref_slice %arg4[%add3A_16] : memref<320000xi32, #tpu.memory_space<hbm>> -> memref<2000xi32, #tpu.memory_space<hbm>>
      %dma_start3A_51 = tpu.memref_slice %arg4[%add3A_16] : memref<320000xi32, #tpu.memory_space<hbm>> -> memref<2000xi32, #tpu.memory_space<hbm>>
      tpu.enqueue_dma source(%dma_start3A_51 : memref<2000xi32, #tpu.memory_space<hbm>>) target(%arg7 : memref<2000xi32, #tpu.memory_space<vmem>>) target_semaphore(%run_scoped3A : memref<!tpu.dma_semaphore, #tpu.memory_space<semaphore_mem>>)
      %dma_wait3A_52 = tpu.memref_slice %arg4[%add3A_16] : memref<320000xi32, #tpu.memory_space<hbm>> -> memref<2000xi32, #tpu.memory_space<hbm>>
      %dma_wait3A_53 = tpu.memref_slice %arg4[%add3A_16] : memref<320000xi32, #tpu.memory_space<hbm>> -> memref<2000xi32, #tpu.memory_space<hbm>>
      tpu.wait_dma2 semaphore(%run_scoped3A : memref<!tpu.dma_semaphore, #tpu.memory_space<semaphore_mem>>) src(%dma_wait3A_53 : memref<2000xi32, #tpu.memory_space<hbm>>) dst(%arg7 : memref<2000xi32, #tpu.memory_space<vmem>>)
      tpu.yield
    }) : () -> ()
    "tpu.region"() ({
      %run_scoped3A = tpu.sem_alloc : memref<!tpu.dma_semaphore, #tpu.memory_space<semaphore_mem>>
      %dma_start3A_50 = tpu.memref_slice %arg3[%add3A_16] : memref<320000xi32, #tpu.memory_space<hbm>> -> memref<2000xi32, #tpu.memory_space<hbm>>
      %dma_start3A_51 = tpu.memref_slice %arg3[%add3A_16] : memref<320000xi32, #tpu.memory_space<hbm>> -> memref<2000xi32, #tpu.memory_space<hbm>>
      tpu.enqueue_dma source(%dma_start3A_51 : memref<2000xi32, #tpu.memory_space<hbm>>) target(%arg9 : memref<2000xi32, #tpu.memory_space<vmem>>) target_semaphore(%run_scoped3A : memref<!tpu.dma_semaphore, #tpu.memory_space<semaphore_mem>>)
      %dma_wait3A_52 = tpu.memref_slice %arg3[%add3A_16] : memref<320000xi32, #tpu.memory_space<hbm>> -> memref<2000xi32, #tpu.memory_space<hbm>>
      %dma_wait3A_53 = tpu.memref_slice %arg3[%add3A_16] : memref<320000xi32, #tpu.memory_space<hbm>> -> memref<2000xi32, #tpu.memory_space<hbm>>
      tpu.wait_dma2 semaphore(%run_scoped3A : memref<!tpu.dma_semaphore, #tpu.memory_space<semaphore_mem>>) src(%dma_wait3A_53 : memref<2000xi32, #tpu.memory_space<hbm>>) dst(%arg9 : memref<2000xi32, #tpu.memory_space<vmem>>)
      tpu.yield
    }) : () -> ()
    %dma_start3A_17 = arith.constant 0 : i32
    %dma_start3A_18 = arith.constant 0 : i32
    %dma_start3A_19 = tpu.memref_slice %arg2[%dma_start3A_17, %dma_start3A_18] : memref<320000x16xf32, #tpu.memory_space<hbm>> -> memref<320000x16xf32, #tpu.memory_space<hbm>>
    tpu.enqueue_indirect_dma source(%dma_start3A_19 : memref<320000x16xf32, #tpu.memory_space<hbm>>) target(%arg11 : memref<2000x16xf32, #tpu.memory_space<vmem>>) offsets(%arg7 : memref<2000xi32, #tpu.memory_space<vmem>>) semaphore(%arg14 : memref<!tpu.dma_semaphore, #tpu.memory_space<semaphore_mem>>)
    %dma_wait3A = arith.constant 0 : i32
    %dma_wait3A_20 = arith.constant 0 : i32
    %dma_wait3A_21 = tpu.memref_slice %arg2[%dma_wait3A, %dma_wait3A_20] : memref<320000x16xf32, #tpu.memory_space<hbm>> -> memref<320000x16xf32, #tpu.memory_space<hbm>>
    tpu.wait_indirect_dma semaphore(%arg13 : memref<!tpu.dma_semaphore, #tpu.memory_space<semaphore_mem>>) src(%dma_wait3A_21 : memref<320000x16xf32, #tpu.memory_space<hbm>>) dst(%arg10 : memref<2000x16xf32, #tpu.memory_space<vmem>>)
    "tpu.region"() ({
      %run_scoped3A = tpu.sem_alloc : memref<!tpu.dma_semaphore, #tpu.memory_space<semaphore_mem>>
      %dma_start3A_50 = arith.constant 0 : i32
      %dma_start3A_51 = arith.constant 0 : i32
      %dma_start3A_52 = tpu.memref_slice %arg12[%dma_start3A_50, %dma_start3A_51] : memref<10112x16xf32, #tpu.memory_space<vmem_shared>> -> memref<10112x16xf32, #tpu.memory_space<vmem_shared>>
      tpu.enqueue_indirect_dma source(%arg10 : memref<2000x16xf32, #tpu.memory_space<vmem>>) target(%dma_start3A_52 : memref<10112x16xf32, #tpu.memory_space<vmem_shared>>) offsets(%arg8 : memref<2000xi32, #tpu.memory_space<vmem>>) semaphore(%run_scoped3A : memref<!tpu.dma_semaphore, #tpu.memory_space<semaphore_mem>>) {add = true}
      %dma_wait3A_53 = arith.constant 0 : i32
      %dma_wait3A_54 = arith.constant 0 : i32
      %dma_wait3A_55 = tpu.memref_slice %arg12[%dma_wait3A_53, %dma_wait3A_54] : memref<10112x16xf32, #tpu.memory_space<vmem_shared>> -> memref<10112x16xf32, #tpu.memory_space<vmem_shared>>
      tpu.wait_indirect_dma semaphore(%run_scoped3A : memref<!tpu.dma_semaphore, #tpu.memory_space<semaphore_mem>>) src(%arg10 : memref<2000x16xf32, #tpu.memory_space<vmem>>) dst(%dma_wait3A_55 : memref<10112x16xf32, #tpu.memory_space<vmem_shared>>)
      tpu.yield
    }) : () -> ()
    %add3A_22 = arith.constant 4000 : i32
    %add3A_23 = arith.addi %mul3A_10, %add3A_22 : i32
    "tpu.region"() ({
      %run_scoped3A = tpu.sem_alloc : memref<!tpu.dma_semaphore, #tpu.memory_space<semaphore_mem>>
      %dma_start3A_50 = tpu.memref_slice %arg4[%add3A_23] : memref<320000xi32, #tpu.memory_space<hbm>> -> memref<2000xi32, #tpu.memory_space<hbm>>
      %dma_start3A_51 = tpu.memref_slice %arg4[%add3A_23] : memref<320000xi32, #tpu.memory_space<hbm>> -> memref<2000xi32, #tpu.memory_space<hbm>>
      tpu.enqueue_dma source(%dma_start3A_51 : memref<2000xi32, #tpu.memory_space<hbm>>) target(%arg6 : memref<2000xi32, #tpu.memory_space<vmem>>) target_semaphore(%run_scoped3A : memref<!tpu.dma_semaphore, #tpu.memory_space<semaphore_mem>>)
      %dma_wait3A_52 = tpu.memref_slice %arg4[%add3A_23] : memref<320000xi32, #tpu.memory_space<hbm>> -> memref<2000xi32, #tpu.memory_space<hbm>>
      %dma_wait3A_53 = tpu.memref_slice %arg4[%add3A_23] : memref<320000xi32, #tpu.memory_space<hbm>> -> memref<2000xi32, #tpu.memory_space<hbm>>
      tpu.wait_dma2 semaphore(%run_scoped3A : memref<!tpu.dma_semaphore, #tpu.memory_space<semaphore_mem>>) src(%dma_wait3A_53 : memref<2000xi32, #tpu.memory_space<hbm>>) dst(%arg6 : memref<2000xi32, #tpu.memory_space<vmem>>)
      tpu.yield
    }) : () -> ()
    "tpu.region"() ({
      %run_scoped3A = tpu.sem_alloc : memref<!tpu.dma_semaphore, #tpu.memory_space<semaphore_mem>>
      %dma_start3A_50 = tpu.memref_slice %arg3[%add3A_23] : memref<320000xi32, #tpu.memory_space<hbm>> -> memref<2000xi32, #tpu.memory_space<hbm>>
      %dma_start3A_51 = tpu.memref_slice %arg3[%add3A_23] : memref<320000xi32, #tpu.memory_space<hbm>> -> memref<2000xi32, #tpu.memory_space<hbm>>
      tpu.enqueue_dma source(%dma_start3A_51 : memref<2000xi32, #tpu.memory_space<hbm>>) target(%arg8 : memref<2000xi32, #tpu.memory_space<vmem>>) target_semaphore(%run_scoped3A : memref<!tpu.dma_semaphore, #tpu.memory_space<semaphore_mem>>)
      %dma_wait3A_52 = tpu.memref_slice %arg3[%add3A_23] : memref<320000xi32, #tpu.memory_space<hbm>> -> memref<2000xi32, #tpu.memory_space<hbm>>
      %dma_wait3A_53 = tpu.memref_slice %arg3[%add3A_23] : memref<320000xi32, #tpu.memory_space<hbm>> -> memref<2000xi32, #tpu.memory_space<hbm>>
      tpu.wait_dma2 semaphore(%run_scoped3A : memref<!tpu.dma_semaphore, #tpu.memory_space<semaphore_mem>>) src(%dma_wait3A_53 : memref<2000xi32, #tpu.memory_space<hbm>>) dst(%arg8 : memref<2000xi32, #tpu.memory_space<vmem>>)
      tpu.yield
    }) : () -> ()
    %dma_start3A_24 = arith.constant 0 : i32
    %dma_start3A_25 = arith.constant 0 : i32
    %dma_start3A_26 = tpu.memref_slice %arg2[%dma_start3A_24, %dma_start3A_25] : memref<320000x16xf32, #tpu.memory_space<hbm>> -> memref<320000x16xf32, #tpu.memory_space<hbm>>
    tpu.enqueue_indirect_dma source(%dma_start3A_26 : memref<320000x16xf32, #tpu.memory_space<hbm>>) target(%arg10 : memref<2000x16xf32, #tpu.memory_space<vmem>>) offsets(%arg6 : memref<2000xi32, #tpu.memory_space<vmem>>) semaphore(%arg13 : memref<!tpu.dma_semaphore, #tpu.memory_space<semaphore_mem>>)
    %dma_wait3A_27 = arith.constant 0 : i32
    %dma_wait3A_28 = arith.constant 0 : i32
    %dma_wait3A_29 = tpu.memref_slice %arg2[%dma_wait3A_27, %dma_wait3A_28] : memref<320000x16xf32, #tpu.memory_space<hbm>> -> memref<320000x16xf32, #tpu.memory_space<hbm>>
    tpu.wait_indirect_dma semaphore(%arg14 : memref<!tpu.dma_semaphore, #tpu.memory_space<semaphore_mem>>) src(%dma_wait3A_29 : memref<320000x16xf32, #tpu.memory_space<hbm>>) dst(%arg11 : memref<2000x16xf32, #tpu.memory_space<vmem>>)
    "tpu.region"() ({
      %run_scoped3A = tpu.sem_alloc : memref<!tpu.dma_semaphore, #tpu.memory_space<semaphore_mem>>
      %dma_start3A_50 = arith.constant 0 : i32
      %dma_start3A_51 = arith.constant 0 : i32
      %dma_start3A_52 = tpu.memref_slice %arg12[%dma_start3A_50, %dma_start3A_51] : memref<10112x16xf32, #tpu.memory_space<vmem_shared>> -> memref<10112x16xf32, #tpu.memory_space<vmem_shared>>
      tpu.enqueue_indirect_dma source(%arg11 : memref<2000x16xf32, #tpu.memory_space<vmem>>) target(%dma_start3A_52 : memref<10112x16xf32, #tpu.memory_space<vmem_shared>>) offsets(%arg9 : memref<2000xi32, #tpu.memory_space<vmem>>) semaphore(%run_scoped3A : memref<!tpu.dma_semaphore, #tpu.memory_space<semaphore_mem>>) {add = true}
      %dma_wait3A_53 = arith.constant 0 : i32
      %dma_wait3A_54 = arith.constant 0 : i32
      %dma_wait3A_55 = tpu.memref_slice %arg12[%dma_wait3A_53, %dma_wait3A_54] : memref<10112x16xf32, #tpu.memory_space<vmem_shared>> -> memref<10112x16xf32, #tpu.memory_space<vmem_shared>>
      tpu.wait_indirect_dma semaphore(%run_scoped3A : memref<!tpu.dma_semaphore, #tpu.memory_space<semaphore_mem>>) src(%arg11 : memref<2000x16xf32, #tpu.memory_space<vmem>>) dst(%dma_wait3A_55 : memref<10112x16xf32, #tpu.memory_space<vmem_shared>>)
      tpu.yield
    }) : () -> ()
    %add3A_30 = arith.constant 6000 : i32
    %add3A_31 = arith.addi %mul3A_10, %add3A_30 : i32
    "tpu.region"() ({
      %run_scoped3A = tpu.sem_alloc : memref<!tpu.dma_semaphore, #tpu.memory_space<semaphore_mem>>
      %dma_start3A_50 = tpu.memref_slice %arg4[%add3A_31] : memref<320000xi32, #tpu.memory_space<hbm>> -> memref<2000xi32, #tpu.memory_space<hbm>>
      %dma_start3A_51 = tpu.memref_slice %arg4[%add3A_31] : memref<320000xi32, #tpu.memory_space<hbm>> -> memref<2000xi32, #tpu.memory_space<hbm>>
      tpu.enqueue_dma source(%dma_start3A_51 : memref<2000xi32, #tpu.memory_space<hbm>>) target(%arg7 : memref<2000xi32, #tpu.memory_space<vmem>>) target_semaphore(%run_scoped3A : memref<!tpu.dma_semaphore, #tpu.memory_space<semaphore_mem>>)
      %dma_wait3A_52 = tpu.memref_slice %arg4[%add3A_31] : memref<320000xi32, #tpu.memory_space<hbm>> -> memref<2000xi32, #tpu.memory_space<hbm>>
      %dma_wait3A_53 = tpu.memref_slice %arg4[%add3A_31] : memref<320000xi32, #tpu.memory_space<hbm>> -> memref<2000xi32, #tpu.memory_space<hbm>>
      tpu.wait_dma2 semaphore(%run_scoped3A : memref<!tpu.dma_semaphore, #tpu.memory_space<semaphore_mem>>) src(%dma_wait3A_53 : memref<2000xi32, #tpu.memory_space<hbm>>) dst(%arg7 : memref<2000xi32, #tpu.memory_space<vmem>>)
      tpu.yield
    }) : () -> ()
    "tpu.region"() ({
      %run_scoped3A = tpu.sem_alloc : memref<!tpu.dma_semaphore, #tpu.memory_space<semaphore_mem>>
      %dma_start3A_50 = tpu.memref_slice %arg3[%add3A_31] : memref<320000xi32, #tpu.memory_space<hbm>> -> memref<2000xi32, #tpu.memory_space<hbm>>
      %dma_start3A_51 = tpu.memref_slice %arg3[%add3A_31] : memref<320000xi32, #tpu.memory_space<hbm>> -> memref<2000xi32, #tpu.memory_space<hbm>>
      tpu.enqueue_dma source(%dma_start3A_51 : memref<2000xi32, #tpu.memory_space<hbm>>) target(%arg9 : memref<2000xi32, #tpu.memory_space<vmem>>) target_semaphore(%run_scoped3A : memref<!tpu.dma_semaphore, #tpu.memory_space<semaphore_mem>>)
      %dma_wait3A_52 = tpu.memref_slice %arg3[%add3A_31] : memref<320000xi32, #tpu.memory_space<hbm>> -> memref<2000xi32, #tpu.memory_space<hbm>>
      %dma_wait3A_53 = tpu.memref_slice %arg3[%add3A_31] : memref<320000xi32, #tpu.memory_space<hbm>> -> memref<2000xi32, #tpu.memory_space<hbm>>
      tpu.wait_dma2 semaphore(%run_scoped3A : memref<!tpu.dma_semaphore, #tpu.memory_space<semaphore_mem>>) src(%dma_wait3A_53 : memref<2000xi32, #tpu.memory_space<hbm>>) dst(%arg9 : memref<2000xi32, #tpu.memory_space<vmem>>)
      tpu.yield
    }) : () -> ()
    %dma_start3A_32 = arith.constant 0 : i32
    %dma_start3A_33 = arith.constant 0 : i32
    %dma_start3A_34 = tpu.memref_slice %arg2[%dma_start3A_32, %dma_start3A_33] : memref<320000x16xf32, #tpu.memory_space<hbm>> -> memref<320000x16xf32, #tpu.memory_space<hbm>>
    tpu.enqueue_indirect_dma source(%dma_start3A_34 : memref<320000x16xf32, #tpu.memory_space<hbm>>) target(%arg11 : memref<2000x16xf32, #tpu.memory_space<vmem>>) offsets(%arg7 : memref<2000xi32, #tpu.memory_space<vmem>>) semaphore(%arg14 : memref<!tpu.dma_semaphore, #tpu.memory_space<semaphore_mem>>)
    %dma_wait3A_35 = arith.constant 0 : i32
    %dma_wait3A_36 = arith.constant 0 : i32
    %dma_wait3A_37 = tpu.memref_slice %arg2[%dma_wait3A_35, %dma_wait3A_36] : memref<320000x16xf32, #tpu.memory_space<hbm>> -> memref<320000x16xf32, #tpu.memory_space<hbm>>
    tpu.wait_indirect_dma semaphore(%arg13 : memref<!tpu.dma_semaphore, #tpu.memory_space<semaphore_mem>>) src(%dma_wait3A_37 : memref<320000x16xf32, #tpu.memory_space<hbm>>) dst(%arg10 : memref<2000x16xf32, #tpu.memory_space<vmem>>)
    "tpu.region"() ({
      %run_scoped3A = tpu.sem_alloc : memref<!tpu.dma_semaphore, #tpu.memory_space<semaphore_mem>>
      %dma_start3A_50 = arith.constant 0 : i32
      %dma_start3A_51 = arith.constant 0 : i32
      %dma_start3A_52 = tpu.memref_slice %arg12[%dma_start3A_50, %dma_start3A_51] : memref<10112x16xf32, #tpu.memory_space<vmem_shared>> -> memref<10112x16xf32, #tpu.memory_space<vmem_shared>>
      tpu.enqueue_indirect_dma source(%arg10 : memref<2000x16xf32, #tpu.memory_space<vmem>>) target(%dma_start3A_52 : memref<10112x16xf32, #tpu.memory_space<vmem_shared>>) offsets(%arg8 : memref<2000xi32, #tpu.memory_space<vmem>>) semaphore(%run_scoped3A : memref<!tpu.dma_semaphore, #tpu.memory_space<semaphore_mem>>) {add = true}
      %dma_wait3A_53 = arith.constant 0 : i32
      %dma_wait3A_54 = arith.constant 0 : i32
      %dma_wait3A_55 = tpu.memref_slice %arg12[%dma_wait3A_53, %dma_wait3A_54] : memref<10112x16xf32, #tpu.memory_space<vmem_shared>> -> memref<10112x16xf32, #tpu.memory_space<vmem_shared>>
      tpu.wait_indirect_dma semaphore(%run_scoped3A : memref<!tpu.dma_semaphore, #tpu.memory_space<semaphore_mem>>) src(%arg10 : memref<2000x16xf32, #tpu.memory_space<vmem>>) dst(%dma_wait3A_55 : memref<10112x16xf32, #tpu.memory_space<vmem_shared>>)
      tpu.yield
    }) : () -> ()
    %add3A_38 = arith.constant 8000 : i32
    %add3A_39 = arith.addi %mul3A_10, %add3A_38 : i32
    "tpu.region"() ({
      %run_scoped3A = tpu.sem_alloc : memref<!tpu.dma_semaphore, #tpu.memory_space<semaphore_mem>>
      %dma_start3A_50 = tpu.memref_slice %arg4[%add3A_39] : memref<320000xi32, #tpu.memory_space<hbm>> -> memref<2000xi32, #tpu.memory_space<hbm>>
      %dma_start3A_51 = tpu.memref_slice %arg4[%add3A_39] : memref<320000xi32, #tpu.memory_space<hbm>> -> memref<2000xi32, #tpu.memory_space<hbm>>
      tpu.enqueue_dma source(%dma_start3A_51 : memref<2000xi32, #tpu.memory_space<hbm>>) target(%arg6 : memref<2000xi32, #tpu.memory_space<vmem>>) target_semaphore(%run_scoped3A : memref<!tpu.dma_semaphore, #tpu.memory_space<semaphore_mem>>)
      %dma_wait3A_52 = tpu.memref_slice %arg4[%add3A_39] : memref<320000xi32, #tpu.memory_space<hbm>> -> memref<2000xi32, #tpu.memory_space<hbm>>
      %dma_wait3A_53 = tpu.memref_slice %arg4[%add3A_39] : memref<320000xi32, #tpu.memory_space<hbm>> -> memref<2000xi32, #tpu.memory_space<hbm>>
      tpu.wait_dma2 semaphore(%run_scoped3A : memref<!tpu.dma_semaphore, #tpu.memory_space<semaphore_mem>>) src(%dma_wait3A_53 : memref<2000xi32, #tpu.memory_space<hbm>>) dst(%arg6 : memref<2000xi32, #tpu.memory_space<vmem>>)
      tpu.yield
    }) : () -> ()
    "tpu.region"() ({
      %run_scoped3A = tpu.sem_alloc : memref<!tpu.dma_semaphore, #tpu.memory_space<semaphore_mem>>
      %dma_start3A_50 = tpu.memref_slice %arg3[%add3A_39] : memref<320000xi32, #tpu.memory_space<hbm>> -> memref<2000xi32, #tpu.memory_space<hbm>>
      %dma_start3A_51 = tpu.memref_slice %arg3[%add3A_39] : memref<320000xi32, #tpu.memory_space<hbm>> -> memref<2000xi32, #tpu.memory_space<hbm>>
      tpu.enqueue_dma source(%dma_start3A_51 : memref<2000xi32, #tpu.memory_space<hbm>>) target(%arg8 : memref<2000xi32, #tpu.memory_space<vmem>>) target_semaphore(%run_scoped3A : memref<!tpu.dma_semaphore, #tpu.memory_space<semaphore_mem>>)
      %dma_wait3A_52 = tpu.memref_slice %arg3[%add3A_39] : memref<320000xi32, #tpu.memory_space<hbm>> -> memref<2000xi32, #tpu.memory_space<hbm>>
      %dma_wait3A_53 = tpu.memref_slice %arg3[%add3A_39] : memref<320000xi32, #tpu.memory_space<hbm>> -> memref<2000xi32, #tpu.memory_space<hbm>>
      tpu.wait_dma2 semaphore(%run_scoped3A : memref<!tpu.dma_semaphore, #tpu.memory_space<semaphore_mem>>) src(%dma_wait3A_53 : memref<2000xi32, #tpu.memory_space<hbm>>) dst(%arg8 : memref<2000xi32, #tpu.memory_space<vmem>>)
      tpu.yield
    }) : () -> ()
    %dma_start3A_40 = arith.constant 0 : i32
    %dma_start3A_41 = arith.constant 0 : i32
    %dma_start3A_42 = tpu.memref_slice %arg2[%dma_start3A_40, %dma_start3A_41] : memref<320000x16xf32, #tpu.memory_space<hbm>> -> memref<320000x16xf32, #tpu.memory_space<hbm>>
    tpu.enqueue_indirect_dma source(%dma_start3A_42 : memref<320000x16xf32, #tpu.memory_space<hbm>>) target(%arg10 : memref<2000x16xf32, #tpu.memory_space<vmem>>) offsets(%arg6 : memref<2000xi32, #tpu.memory_space<vmem>>) semaphore(%arg13 : memref<!tpu.dma_semaphore, #tpu.memory_space<semaphore_mem>>)
    %dma_wait3A_43 = arith.constant 0 : i32
    %dma_wait3A_44 = arith.constant 0 : i32
    %dma_wait3A_45 = tpu.memref_slice %arg2[%dma_wait3A_43, %dma_wait3A_44] : memref<320000x16xf32, #tpu.memory_space<hbm>> -> memref<320000x16xf32, #tpu.memory_space<hbm>>
    tpu.wait_indirect_dma semaphore(%arg14 : memref<!tpu.dma_semaphore, #tpu.memory_space<semaphore_mem>>) src(%dma_wait3A_45 : memref<320000x16xf32, #tpu.memory_space<hbm>>) dst(%arg11 : memref<2000x16xf32, #tpu.memory_space<vmem>>)
    "tpu.region"() ({
      %run_scoped3A = tpu.sem_alloc : memref<!tpu.dma_semaphore, #tpu.memory_space<semaphore_mem>>
      %dma_start3A_50 = arith.constant 0 : i32
      %dma_start3A_51 = arith.constant 0 : i32
      %dma_start3A_52 = tpu.memref_slice %arg12[%dma_start3A_50, %dma_start3A_51] : memref<10112x16xf32, #tpu.memory_space<vmem_shared>> -> memref<10112x16xf32, #tpu.memory_space<vmem_shared>>
      tpu.enqueue_indirect_dma source(%arg11 : memref<2000x16xf32, #tpu.memory_space<vmem>>) target(%dma_start3A_52 : memref<10112x16xf32, #tpu.memory_space<vmem_shared>>) offsets(%arg9 : memref<2000xi32, #tpu.memory_space<vmem>>) semaphore(%run_scoped3A : memref<!tpu.dma_semaphore, #tpu.memory_space<semaphore_mem>>) {add = true}
      %dma_wait3A_53 = arith.constant 0 : i32
      %dma_wait3A_54 = arith.constant 0 : i32
      %dma_wait3A_55 = tpu.memref_slice %arg12[%dma_wait3A_53, %dma_wait3A_54] : memref<10112x16xf32, #tpu.memory_space<vmem_shared>> -> memref<10112x16xf32, #tpu.memory_space<vmem_shared>>
      tpu.wait_indirect_dma semaphore(%run_scoped3A : memref<!tpu.dma_semaphore, #tpu.memory_space<semaphore_mem>>) src(%arg11 : memref<2000x16xf32, #tpu.memory_space<vmem>>) dst(%dma_wait3A_55 : memref<10112x16xf32, #tpu.memory_space<vmem_shared>>)
      tpu.yield
    }) : () -> ()
    %dma_wait3A_46 = arith.constant 0 : i32
    %dma_wait3A_47 = arith.constant 0 : i32
    %dma_wait3A_48 = tpu.memref_slice %arg2[%dma_wait3A_46, %dma_wait3A_47] : memref<320000x16xf32, #tpu.memory_space<hbm>> -> memref<320000x16xf32, #tpu.memory_space<hbm>>
    tpu.wait_indirect_dma semaphore(%arg13 : memref<!tpu.dma_semaphore, #tpu.memory_space<semaphore_mem>>) src(%dma_wait3A_48 : memref<320000x16xf32, #tpu.memory_space<hbm>>) dst(%arg10 : memref<2000x16xf32, #tpu.memory_space<vmem>>)
    "tpu.region"() ({
      %run_scoped3A = tpu.sem_alloc : memref<!tpu.dma_semaphore, #tpu.memory_space<semaphore_mem>>
      %dma_start3A_50 = arith.constant 0 : i32
      %dma_start3A_51 = arith.constant 0 : i32
      %dma_start3A_52 = tpu.memref_slice %arg12[%dma_start3A_50, %dma_start3A_51] : memref<10112x16xf32, #tpu.memory_space<vmem_shared>> -> memref<10112x16xf32, #tpu.memory_space<vmem_shared>>
      tpu.enqueue_indirect_dma source(%arg10 : memref<2000x16xf32, #tpu.memory_space<vmem>>) target(%dma_start3A_52 : memref<10112x16xf32, #tpu.memory_space<vmem_shared>>) offsets(%arg8 : memref<2000xi32, #tpu.memory_space<vmem>>) semaphore(%run_scoped3A : memref<!tpu.dma_semaphore, #tpu.memory_space<semaphore_mem>>) {add = true}
      %dma_wait3A_53 = arith.constant 0 : i32
      %dma_wait3A_54 = arith.constant 0 : i32
      %dma_wait3A_55 = tpu.memref_slice %arg12[%dma_wait3A_53, %dma_wait3A_54] : memref<10112x16xf32, #tpu.memory_space<vmem_shared>> -> memref<10112x16xf32, #tpu.memory_space<vmem_shared>>
      tpu.wait_indirect_dma semaphore(%run_scoped3A : memref<!tpu.dma_semaphore, #tpu.memory_space<semaphore_mem>>) src(%arg10 : memref<2000x16xf32, #tpu.memory_space<vmem>>) dst(%dma_wait3A_55 : memref<10112x16xf32, #tpu.memory_space<vmem_shared>>)
      tpu.yield
    }) : () -> ()
    %barrier3A_49 = arith.constant 0 : index
    tpu.barrier barrier_id(%barrier3A_49)
    "tpu.region"() ({
      %run_scoped3A = tpu.sem_alloc : memref<!tpu.dma_semaphore, #tpu.memory_space<semaphore_mem>>
      %dma_start3A_50 = arith.constant 0 : i32
      %dma_start3A_51 = tpu.memref_slice %arg5[%arg0, %mul3A_0, %dma_start3A_50] : memref<2x10112x16xf32, #tpu.memory_space<hbm>> -> memref<1x632x16xf32, #tpu.memory_space<hbm>>
      %dma_start3A_52 = tpu.memref_squeeze %dma_start3A_51 : memref<1x632x16xf32, #tpu.memory_space<hbm>> -> memref<632x16xf32, #tpu.memory_space<hbm>>
      %dma_start3A_53 = arith.constant 0 : i32
      %dma_start3A_54 = tpu.memref_slice %arg12[%mul3A_0, %dma_start3A_53] : memref<10112x16xf32, #tpu.memory_space<vmem_shared>> -> memref<632x16xf32, #tpu.memory_space<vmem_shared>>
      tpu.enqueue_dma source(%dma_start3A_54 : memref<632x16xf32, #tpu.memory_space<vmem_shared>>) target(%dma_start3A_52 : memref<632x16xf32, #tpu.memory_space<hbm>>) target_semaphore(%run_scoped3A : memref<!tpu.dma_semaphore, #tpu.memory_space<semaphore_mem>>)
      %dma_wait3A_55 = arith.constant 0 : i32
      %dma_wait3A_56 = tpu.memref_slice %arg5[%arg0, %mul3A_0, %dma_wait3A_55] : memref<2x10112x16xf32, #tpu.memory_space<hbm>> -> memref<1x632x16xf32, #tpu.memory_space<hbm>>
      %dma_wait3A_57 = tpu.memref_squeeze %dma_wait3A_56 : memref<1x632x16xf32, #tpu.memory_space<hbm>> -> memref<632x16xf32, #tpu.memory_space<hbm>>
      %dma_wait3A_58 = arith.constant 0 : i32
      %dma_wait3A_59 = tpu.memref_slice %arg12[%mul3A_0, %dma_wait3A_58] : memref<10112x16xf32, #tpu.memory_space<vmem_shared>> -> memref<632x16xf32, #tpu.memory_space<vmem_shared>>
      tpu.wait_dma2 semaphore(%run_scoped3A : memref<!tpu.dma_semaphore, #tpu.memory_space<semaphore_mem>>) src(%dma_wait3A_59 : memref<632x16xf32, #tpu.memory_space<vmem_shared>>) dst(%dma_wait3A_57 : memref<632x16xf32, #tpu.memory_space<hbm>>)
      tpu.yield
    }) : () -> ()
    return
  }
}

module attributes {stable_mosaic.version = 14 : i64} {
  func.func @body(%arg0: i32, %arg1: memref<2000x16xf32, #tpu.memory_space<vmem>>, %arg2: memref<2x2000x16xf32, #tpu.memory_space<vmem>>, %arg3: memref<16x256xf32, #tpu.memory_space<vmem>>, %arg4: memref<1x256xf32, #tpu.memory_space<vmem>>, %arg5: memref<64x16xf32, #tpu.memory_space<vmem>>, %arg6: memref<64x16xf32, #tpu.memory_space<vmem>>, %arg7: memref<2000x64xf32, #tpu.memory_space<vmem>>) attributes {dimension_semantics = [#tpu.dimension_semantics<arbitrary>], iteration_bounds = array<i64: 5>, scalar_prefetch = 0 : i64, scratch_operands = 0 : i64, tpu.core_type = #tpu.core_type<tc>, window_params = [{transform_indices = @transform_0, window_bounds = array<i64: 2000, 16>}, {transform_indices = @transform_1, window_bounds = array<i64: 2, 2000, 16>}, {pipeline_mode = #tpu.pipeline_mode<synchronous>, transform_indices = @transform_2, window_bounds = array<i64: 16, 256>}, {pipeline_mode = #tpu.pipeline_mode<synchronous>, transform_indices = @transform_3, window_bounds = array<i64: 1, 256>}, {pipeline_mode = #tpu.pipeline_mode<synchronous>, transform_indices = @transform_4, window_bounds = array<i64: 64, 16>}, {pipeline_mode = #tpu.pipeline_mode<synchronous>, transform_indices = @transform_5, window_bounds = array<i64: 64, 16>}, {transform_indices = @transform_6, window_bounds = array<i64: 2000, 64>}]} {
    %get3A = arith.constant 0 : index
    %get3A_0 = arith.constant 0 : index
    %get3A_1 = vector.load %arg1[%get3A, %get3A_0] : memref<2000x16xf32, #tpu.memory_space<vmem>>, vector<2000x16xf32>
    %get3A_2 = arith.constant 0 : index
    %get3A_3 = arith.constant 0 : index
    %get3A_4 = vector.load %arg3[%get3A_2, %get3A_3] : memref<16x256xf32, #tpu.memory_space<vmem>>, vector<16x256xf32>
    %dot_general3A = arith.constant dense<0.000000e+00> : vector<2000x256xf32>
    %dot_general3A_5 = tpu.matmul %get3A_1, %get3A_4, %dot_general3A {dimension_numbers = #tpu.dot_dimension_numbers<[1], [0], [0], [1], [0, 0, 1, 1], [], []>, transpose_lhs_hint = false} : vector<2000x16xf32>, vector<16x256xf32>, vector<2000x256xf32> -> vector<2000x256xf32>
    %get3A_6 = arith.constant 0 : index
    %get3A_7 = arith.constant 0 : index
    %get3A_8 = vector.load %arg4[%get3A_6, %get3A_7] : memref<1x256xf32, #tpu.memory_space<vmem>>, vector<1x256xf32>
    %add3A = vector.broadcast %get3A_8 : vector<1x256xf32> to vector<2000x256xf32>
    %add3A_9 = arith.addf %dot_general3A_5, %add3A : vector<2000x256xf32>
    %get3A_10 = arith.constant 0 : index
    %get3A_11 = arith.constant 0 : index
    %get3A_12 = arith.constant 0 : index
    %get3A_13 = vector.load %arg2[%get3A_10, %get3A_11, %get3A_12] : memref<2x2000x16xf32, #tpu.memory_space<vmem>>, vector<1x2000x16xf32>
    %get3A_14 = vector.shape_cast %get3A_13 : vector<1x2000x16xf32> to vector<2000x16xf32>
    %get3A_15 = arith.constant 1 : index
    %get3A_16 = arith.constant 0 : index
    %get3A_17 = arith.constant 0 : index
    %get3A_18 = vector.load %arg2[%get3A_15, %get3A_16, %get3A_17] : memref<2x2000x16xf32, #tpu.memory_space<vmem>>, vector<1x2000x16xf32>
    %get3A_19 = vector.shape_cast %get3A_18 : vector<1x2000x16xf32> to vector<2000x16xf32>
    %add3A_20 = arith.addf %get3A_14, %get3A_19 : vector<2000x16xf32>
    %iota3A = tpu.iota {dimensions = array<i32: 0>} : vector<16x256xi32>
    %iota3A_21 = tpu.iota {dimensions = array<i32: 1>} : vector<16x256xi32>
    %jit3A = arith.constant 16 : i32
    %eq3A = arith.constant 0 : i32
    %eq3A_22 = arith.cmpi eq, %jit3A, %eq3A : i32
    %jit3A_23 = arith.constant 1 : i32
    %select_n3A = arith.select %eq3A_22, %jit3A_23, %jit3A : i32
    %rem3A = vector.broadcast %select_n3A : i32 to vector<16x256xi32>
    %rem3A_24 = arith.remsi %iota3A_21, %rem3A : vector<16x256xi32>
    %ne3A = arith.constant 0 : i32
    %ne3A_25 = vector.broadcast %ne3A : i32 to vector<16x256xi32>
    %ne3A_26 = arith.cmpi ne, %rem3A_24, %ne3A_25 : vector<16x256xi32>
    %lt3A = arith.constant 0 : i32
    %lt3A_27 = vector.broadcast %lt3A : i32 to vector<16x256xi32>
    %lt3A_28 = arith.cmpi slt, %rem3A_24, %lt3A_27 : vector<16x256xi32>
    %lt3A_29 = arith.constant 0 : i32
    %lt3A_30 = arith.cmpi slt, %select_n3A, %lt3A_29 : i32
    %ne3A_31 = vector.broadcast %lt3A_30 : i1 to vector<16x256xi1>
    %ne3A_32 = vector.broadcast %ne3A_31 : vector<16x256xi1> to vector<16x256xi1>
    %ne3A_33 = arith.xori %lt3A_28, %ne3A_32 : vector<16x256xi1>
    %and3A = arith.andi %ne3A_33, %ne3A_26 : vector<16x256xi1>
    %add3A_34 = vector.broadcast %select_n3A : i32 to vector<16x256xi32>
    %add3A_35 = arith.addi %rem3A_24, %add3A_34 : vector<16x256xi32>
    %select_n3A_36 = arith.select %and3A, %add3A_35, %rem3A_24 : vector<16x256xi1>, vector<16x256xi32>
    %eq3A_37 = arith.cmpi eq, %select_n3A_36, %iota3A : vector<16x256xi32>
    %convert_element_type3A = arith.extui %eq3A_37 : vector<16x256xi1> to vector<16x256xi32>
    %convert_element_type3A_38 = arith.sitofp %convert_element_type3A : vector<16x256xi32> to vector<16x256xf32>
    %iota3A_39 = tpu.iota {dimensions = array<i32: 0>} : vector<256x16xi32>
    %iota3A_40 = tpu.iota {dimensions = array<i32: 1>} : vector<256x16xi32>
    %jit3A_41 = arith.constant 16 : i32
    %div3A = vector.broadcast %jit3A_41 : i32 to vector<256x16xi32>
    %div3A_42 = arith.divsi %iota3A_39, %div3A : vector<256x16xi32>
    %sign3A = arith.constant 0 : i32
    %sign3A_43 = vector.broadcast %sign3A : i32 to vector<256x16xi32>
    %sign3A_44 = arith.cmpi sgt, %iota3A_39, %sign3A_43 : vector<256x16xi32>
    %sign3A_45 = arith.extui %sign3A_44 : vector<256x16xi1> to vector<256x16xi32>
    %sign3A_46 = arith.constant 0 : i32
    %sign3A_47 = vector.broadcast %sign3A_46 : i32 to vector<256x16xi32>
    %sign3A_48 = arith.cmpi slt, %iota3A_39, %sign3A_47 : vector<256x16xi32>
    %sign3A_49 = arith.extui %sign3A_48 : vector<256x16xi1> to vector<256x16xi32>
    %sign3A_50 = arith.subi %sign3A_45, %sign3A_49 : vector<256x16xi32>
    %sign3A_51 = arith.constant 0 : i32
    %sign3A_52 = arith.cmpi sgt, %jit3A_41, %sign3A_51 : i32
    %sign3A_53 = arith.extui %sign3A_52 : i1 to i32
    %sign3A_54 = arith.constant 0 : i32
    %sign3A_55 = arith.cmpi slt, %jit3A_41, %sign3A_54 : i32
    %sign3A_56 = arith.extui %sign3A_55 : i1 to i32
    %sign3A_57 = arith.subi %sign3A_53, %sign3A_56 : i32
    %ne3A_58 = vector.broadcast %sign3A_57 : i32 to vector<256x16xi32>
    %ne3A_59 = arith.cmpi ne, %sign3A_50, %ne3A_58 : vector<256x16xi32>
    %rem3A_60 = vector.broadcast %jit3A_41 : i32 to vector<256x16xi32>
    %rem3A_61 = arith.remsi %iota3A_39, %rem3A_60 : vector<256x16xi32>
    %ne3A_62 = arith.constant 0 : i32
    %ne3A_63 = vector.broadcast %ne3A_62 : i32 to vector<256x16xi32>
    %ne3A_64 = arith.cmpi ne, %rem3A_61, %ne3A_63 : vector<256x16xi32>
    %and3A_65 = arith.andi %ne3A_59, %ne3A_64 : vector<256x16xi1>
    %sub3A = arith.constant 1 : i32
    %sub3A_66 = vector.broadcast %sub3A : i32 to vector<256x16xi32>
    %sub3A_67 = arith.subi %div3A_42, %sub3A_66 : vector<256x16xi32>
    %select_n3A_68 = arith.select %and3A_65, %sub3A_67, %div3A_42 : vector<256x16xi1>, vector<256x16xi32>
    %eq3A_69 = arith.cmpi eq, %select_n3A_68, %iota3A_40 : vector<256x16xi32>
    %convert_element_type3A_70 = arith.extui %eq3A_69 : vector<256x16xi1> to vector<256x16xi32>
    %convert_element_type3A_71 = arith.sitofp %convert_element_type3A_70 : vector<256x16xi32> to vector<256x16xf32>
    %dot_general3A_72 = arith.constant dense<0.000000e+00> : vector<2000x256xf32>
    %dot_general3A_73 = tpu.matmul %add3A_20, %convert_element_type3A_38, %dot_general3A_72 {dimension_numbers = #tpu.dot_dimension_numbers<[1], [0], [0], [1], [0, 0, 1, 1], [], []>, transpose_lhs_hint = false} : vector<2000x16xf32>, vector<16x256xf32>, vector<2000x256xf32> -> vector<2000x256xf32>
    %mul3A = arith.mulf %add3A_9, %dot_general3A_73 : vector<2000x256xf32>
    %dot_general3A_74 = arith.constant dense<0.000000e+00> : vector<2000x16xf32>
    %dot_general3A_75 = tpu.matmul %mul3A, %convert_element_type3A_71, %dot_general3A_74 {dimension_numbers = #tpu.dot_dimension_numbers<[1], [0], [0], [1], [0, 0, 1, 1], [], []>, transpose_lhs_hint = false} : vector<2000x256xf32>, vector<256x16xf32>, vector<2000x16xf32> -> vector<2000x16xf32>
    %get3A_76 = arith.constant 0 : index
    %get3A_77 = arith.constant 0 : index
    %get3A_78 = vector.load %arg5[%get3A_76, %get3A_77] : memref<64x16xf32, #tpu.memory_space<vmem>>, vector<64x16xf32>
    %dot_general3A_79 = arith.constant dense<0.000000e+00> : vector<2000x64xf32>
    %dot_general3A_80 = tpu.matmul %dot_general3A_75, %get3A_78, %dot_general3A_79 {dimension_numbers = #tpu.dot_dimension_numbers<[1], [1], [0], [0], [0, 0, 1, 0], [], []>, transpose_lhs_hint = false} : vector<2000x16xf32>, vector<64x16xf32>, vector<2000x64xf32> -> vector<2000x64xf32>
    %get3A_81 = arith.constant 0 : index
    %get3A_82 = arith.constant 0 : index
    %get3A_83 = vector.load %arg6[%get3A_81, %get3A_82] : memref<64x16xf32, #tpu.memory_space<vmem>>, vector<64x16xf32>
    %dot_general3A_84 = arith.constant dense<0.000000e+00> : vector<2000x64xf32>
    %dot_general3A_85 = tpu.matmul %add3A_20, %get3A_83, %dot_general3A_84 {dimension_numbers = #tpu.dot_dimension_numbers<[1], [1], [0], [0], [0, 0, 1, 0], [], []>, transpose_lhs_hint = false} : vector<2000x16xf32>, vector<64x16xf32>, vector<2000x64xf32> -> vector<2000x64xf32>
    %max3A = arith.constant 0.000000e+00 : f32
    %max3A_86 = vector.broadcast %max3A : f32 to vector<2000x64xf32>
    %max3A_87 = arith.maximumf %dot_general3A_85, %max3A_86 : vector<2000x64xf32>
    %add3A_88 = arith.addf %dot_general3A_80, %max3A_87 : vector<2000x64xf32>
    %max3A_89 = arith.constant 0.000000e+00 : f32
    %max3A_90 = vector.broadcast %max3A_89 : f32 to vector<2000x64xf32>
    %max3A_91 = arith.maximumf %add3A_88, %max3A_90 : vector<2000x64xf32>
    %swap3A = arith.constant 0 : index
    %swap3A_92 = arith.constant 0 : index
    %swap3A_93 = vector.load %arg7[%swap3A, %swap3A_92] : memref<2000x64xf32, #tpu.memory_space<vmem>>, vector<2000x64xf32>
    tpu.vector_store %arg7[%swap3A, %swap3A_92], %max3A_91 {strides = array<i32>} : memref<2000x64xf32, #tpu.memory_space<vmem>>, vector<2000x64xf32>,
    return
  }
  func.func @transform_0(%arg0: i32) -> (i32, i32) {
    %c0_i32 = arith.constant 0 : i32
    %c0_i32_0 = arith.constant 0 : i32
    return %arg0, %c0_i32 : i32, i32
  }
  func.func @transform_1(%arg0: i32) -> (i32, i32, i32) {
    %c0_i32 = arith.constant 0 : i32
    %c0_i32_0 = arith.constant 0 : i32
    %c0_i32_1 = arith.constant 0 : i32
    return %c0_i32, %arg0, %c0_i32_0 : i32, i32, i32
  }
  func.func @transform_2(%arg0: i32) -> (i32, i32) {
    %c0_i32 = arith.constant 0 : i32
    %c0_i32_0 = arith.constant 0 : i32
    %c0_i32_1 = arith.constant 0 : i32
    return %c0_i32, %c0_i32_0 : i32, i32
  }
  func.func @transform_3(%arg0: i32) -> (i32, i32) {
    %c0_i32 = arith.constant 0 : i32
    %c0_i32_0 = arith.constant 0 : i32
    %c0_i32_1 = arith.constant 0 : i32
    return %c0_i32, %c0_i32_0 : i32, i32
  }
  func.func @transform_4(%arg0: i32) -> (i32, i32) {
    %c0_i32 = arith.constant 0 : i32
    %c0_i32_0 = arith.constant 0 : i32
    %c0_i32_1 = arith.constant 0 : i32
    return %c0_i32, %c0_i32_0 : i32, i32
  }
  func.func @transform_5(%arg0: i32) -> (i32, i32) {
    %c0_i32 = arith.constant 0 : i32
    %c0_i32_0 = arith.constant 0 : i32
    %c0_i32_1 = arith.constant 0 : i32
    return %c0_i32, %c0_i32_0 : i32, i32
  }
  func.func @transform_6(%arg0: i32) -> (i32, i32) {
    %c0_i32 = arith.constant 0 : i32
    %c0_i32_0 = arith.constant 0 : i32
    return %arg0, %c0_i32 : i32, i32
  }
}

</mosaic_0001>

<sc_bundles>
// kernel: kernel.5.cloned.1.call-start
scs
__scs_entry_jumppad:
0x0: {  	(pc) =	sbr.rel $0x88, $3  }
0x1: {  	(tag) =	ssettag $0x0;
	lr =	simm.s32 $0x1  }
0x2: {  	[smem:$0x3F9A] =	sst lr;
	_ =	strace $0xD0000000  }
0x3: {  	_ = 	snop  }
0x4: {  	_ = 	snop  }
0x5: {  	_ = 	snop  }
0x6: {  	_ = 	snop  }
0x7: {  	_ = 	snop  }
__scs_overlays_trampoline_lowered:
0x8: {  	[smem:$0x3FA9] =	sst s0  }
0x9: {  	[smem:$0x3FAA] =	sst s1  }
0xa: {  	[smem:$0x3FAB] =	sst s2  }
0xb: {  	[smem:$0x3FAC] =	sst s3  }
0xc: {  	[smem:$0x3FAD] =	sst s4  }
0xd: {  	[smem:$0x3FAE] =	sst s5  }
0xe: {  	[smem:$0x3FAF] =	sst s6  }
0xf: {  	[smem:$0x3FB0] =	sst s7  }
0x10: {  	[smem:$0x3FB1] =	sst s8  }
0x11: {  	[smem:$0x3FB2] =	sst s9;
	s0 =	simm.s32 @!p0 $0x0  }
0x12: {  	s1 =	sld [smem:$0x3F98];
	s0 =	simm.s32 @p0 $0x1  }
0x13: {  	[smem:$0x3FB3] =	sst s0;
	s0 =	simm.s32 @!p1 $0x0  }
0x14: {  	s2 =	sld [smem:$0x3F97];
	s0 =	simm.s32 @p1 $0x1  }
0x15: {  	[smem:$0x3FB4] =	sst s0;
	s0 =	simm.s32 @!p2 $0x0  }
0x16: {  	s3 =	sld [smem:$0x3FDB];
	s0 =	simm.s32 @p2 $0x1  }
0x17: {  	s4 =	simm.s32 $0x1BF5;
	[smem:$0x3FB6] =	sst s0  }
0x18: {  	s0 =	sld [smem:$0x3F99];
	_ =	swait.ge [sflag:s4], $0x0  }
0x19: {  	s7 =	sld [smem:$0x3F9A]  }
0x1a: {  	s8 =	sadd.s32 $0xFFFFE003, lr  }
0x1b: {  	s9 =	sadd.s32 $0xFFFFFEF7, lr;
	s5 =	simm.s32 $0xFFFFFFFF;
	p2 =	slt.u32 s8, $0xFFFFF086  }
0x1c: {  	p1 =	slt.u32 s9, $0xF7A;
	s5 =	simm.s32 @!p2 $0x0  }
0x1d: {  	s5 =	simm.s32 @p1 $0x1;
	p0 =	seq.s32 s7, s2  }
0x1e: {  	s7 =	smul.u32 @!p0 $0xF7A, s2;
	p2 =	seq.s32 @!p0 s5, $0x0  }
0x1f: {  	s9 =	smul.u32 $0xF7A, s1;
	s8 =	simm.s32 @!p0 $0x1BF5;
	p2 =	por !p2, p0  }
0x20: {  	[sflag:s8] =	ssyncset.s32 @!p0 $0xFFFFF086;
	s6 =	sadd.s32 @!p0 s3, s7;
	s7 =	simm.s32 @!p0 $0x108  }
0x21: {  	s3 =	sadd.s32 s3, s9;
	s6 =	sadd.s32 @!p0 $0x88, s6;
	s7 =	simm.s32 @p2 $0x1082  }
0x22: {  	[simem:s7], [sflag:s8] =	dma.local @!p0 [hbm:s6], $0xF7A  }
0x23: {  	s9 =	sor.u32 $0xD0000000, s2;
	s6 =	simm.s32 $0x108;
	_ =	swait.ge @!p0 [sflag:s8], $0x0  }
0x24: {  	s3 =	sadd.s32 $0x88, s3;
	s6 =	simm.s32 @!p1 $0x1082;
	[sflag:s4] =	ssyncset.s32 $0xFFFFF086  }
0x25: {  	[simem:s6], [sflag:s4] =	dma.local [hbm:s3], $0xF7A  }
0x26: {  	[smem:$0x3F9A] =	sst s1;
	(tag) =	ssettag s2;
	_ =	strace s9  }
0x27: {  	s1 =	sld [smem:$0x3FAA]  }
0x28: {  	s2 =	sld [smem:$0x3FAB]  }
0x29: {  	s4 =	sld [smem:$0x3FAD]  }
0x2a: {  	p0 =	seq.s32 s5, $0x0;
	s5 =	sld [smem:$0x3FAE]  }
0x2b: {  	s6 =	sld [smem:$0x3FAF]  }
0x2c: {  	s7 =	sld [smem:$0x3FB0]  }
0x2d: {  	s3 =	simm.s32 $0x108;
	s8 =	sld [smem:$0x3FB1]  }
0x2e: {  	s3 =	simm.s32 @!p0 $0x1082;
	s9 =	sld [smem:$0x3FB2]  }
0x2f: {  	lr =	sadd.s32 s0, s3;
	s0 =	sld [smem:$0x3FA9]  }
0x30: {  	s3 =	sld [smem:$0x3FAC]  }
0x31: {  	[smem:$0x3FB5] =	sst s10  }
0x32: {  	s10 =	sld [smem:$0x3FB3];
	_ =	sdelay $0x3  }
0x33: {  	p0 =	seq.s32 s10, $0x1;
	s10 =	sld [smem:$0x3FB5];
	_ =	sdelay $0x3  }
0x34: {  	[smem:$0x3FB5] =	sst s10  }
0x35: {  	s10 =	sld [smem:$0x3FB4];
	_ =	sdelay $0x3  }
0x36: {  	p1 =	seq.s32 s10, $0x1;
	s10 =	sld [smem:$0x3FB5];
	_ =	sdelay $0x3  }
0x37: {  	[smem:$0x3FB5] =	sst s10  }
0x38: {  	s10 =	sld [smem:$0x3FB6]  }
0x39: {  	_ = 	snop;
	(pc) =	sbr.ind lr, $3  }
0x3a: {  	_ = 	snop  }
0x3b: {  	_ = 	snop  }
0x3c: {  	p2 =	seq.s32 s10, $0x1;
	s10 =	sld [smem:$0x3FB5]  }
0x3d: {  	_ =	shalt  }
0x3e: {  	_ =	shalt  }
0x3f: {  	_ =	shalt  }
0x40: {  	_ =	shalt  }
0x41: {  	_ =	shalt  }
0x42: {  	_ =	shalt  }
0x43: {  	_ =	shalt  }
0x44: {  	_ =	shalt  }
0x45: {  	_ =	shalt  }
0x46: {  	_ =	shalt  }
0x47: {  	_ =	shalt  }
0x48: {  	_ =	shalt  }
0x49: {  	_ =	shalt  }
0x4a: {  	_ =	shalt  }
0x4b: {  	_ =	shalt  }
0x4c: {  	_ =	shalt  }
0x4d: {  	_ =	shalt  }
0x4e: {  	_ =	shalt  }
0x4f: {  	_ =	shalt  }
0x50: {  	_ =	shalt  }
0x51: {  	_ =	shalt  }
0x52: {  	_ =	shalt  }
0x53: {  	_ =	shalt  }
0x54: {  	_ =	shalt  }
0x55: {  	_ =	shalt  }
0x56: {  	_ =	shalt  }
0x57: {  	_ =	shalt  }
0x58: {  	_ =	shalt  }
0x59: {  	_ =	shalt  }
0x5a: {  	_ =	shalt  }
0x5b: {  	_ =	shalt  }
0x5c: {  	_ =	shalt  }
0x5d: {  	_ =	shalt  }
0x5e: {  	_ =	shalt  }
0x5f: {  	_ =	shalt  }
0x60: {  	_ =	shalt  }
0x61: {  	_ =	shalt  }
0x62: {  	_ =	shalt  }
0x63: {  	_ =	shalt  }
0x64: {  	_ =	shalt  }
0x65: {  	_ =	shalt  }
0x66: {  	_ =	shalt  }
0x67: {  	_ =	shalt  }
0x68: {  	_ =	shalt  }
0x69: {  	_ =	shalt  }
0x6a: {  	_ =	shalt  }
0x6b: {  	_ =	shalt  }
0x6c: {  	_ =	shalt  }
0x6d: {  	_ =	shalt  }
0x6e: {  	_ =	shalt  }
0x6f: {  	_ =	shalt  }
0x70: {  	_ =	shalt  }
0x71: {  	_ =	shalt  }
0x72: {  	_ =	shalt  }
0x73: {  	_ =	shalt  }
0x74: {  	_ =	shalt  }
0x75: {  	_ =	shalt  }
0x76: {  	_ =	shalt  }
0x77: {  	_ =	shalt  }
0x78: {  	_ =	shalt  }
0x79: {  	_ =	shalt  }
0x7a: {  	_ =	shalt  }
0x7b: {  	_ =	shalt  }
0x7c: {  	_ =	shalt  }
0x7d: {  	_ =	shalt  }
0x7e: {  	_ =	shalt  }
0x7f: {  	_ =	shalt  }
0x80: {  	_ =	shalt  }
0x81: {  	_ =	shalt  }
0x82: {  	_ =	shalt  }
0x83: {  	_ =	shalt  }
0x84: {  	_ =	shalt  }
0x85: {  	_ =	shalt  }
0x86: {  	_ =	shalt  }
0x87: {  	_ =	shalt  }
.Lfunc_end0:
.L_simem_size_0:
called_computation_lowered:
.L_overlay_start_0:
0x88: {  	s2 =	sld [smem:$0x3FD9]  }
0x89: {  	s3 =	sld [smem:$0x3FFE];
	_ =	sdelay $0x1  }
0x8a: {  	s1 =	srdreg.scid  }
0x8b: {  	s0 =	sand.u32 $0x1, s1  }
0x8c: {  	s14 =	sshll.u32 s0, $0xA;
	s2 =	sadd.s32 s3, s2  }
0x8d: {  	s2 =	sadd.s32 s2, s14  }
0x8e: {  	[smem:$0x3FC1] =	sst s2  }
0x8f: {  	_ = 	snop  }
0x90: {  	s2 =	sld [smem:$0x3FD0];
	_ =	sdelay $0x2  }
0x91: {  	s15 =	simm.s32 $0xA;
	s4 =	simm.s32 $0x10  }
0x92: {  	[smem:s4], [sflag:s15] =	dma.local [hbm:s2], $0x1  }
0x93: {  	_ =	swait.eq [sflag:s15], $0x1  }
0x94: {  	s16 =	sld [smem:$0x11];
	[sflag:s15] =	ssyncset.done $0x0  }
0x95: {  	s17 =	sld [smem:$0x12];
	[sflag:s15] =	ssyncadd.s32 $0xFFFFFFFF  }
0x96: {  	s18 =	sld [smem:$0x13];
	(tm) =	ssettm $0x1  }
0x97: {  	s5 =	sld [smem:$0x3FFB];
	_ =	sdelay $0x3  }
0x98: {  	_ =	strace s5  }
0x99: {  	s5 =	sld [smem:$0x3FFC];
	_ =	sdelay $0x3  }
0x9a: {  	_ =	strace s5  }
0x9b: {  	s5 =	sld [smem:$0x3FFD];
	_ =	sdelay $0x3  }
0x9c: {  	_ =	strace s5  }
0x9d: {  	_ =	strace $0x8FFFFFFF  }
0x9e: {  	s19 =	sld [smem:$0x3FDB];
	_ =	sdelay $0x1  }
0x9f: {  	s6 =	simm.s32 $_scs_section_size  }
0xa0: {  	s7 =	simm.s32 $_size__tile_overlayer_lowered;
	s8 =	simm.s32 $_tile_overlayer_lowered  }
0xa1: {  	s22 =	simm.s32 $0x1BFF;
	s21 =	sshll.u32 s8, $0x1;
	s5 =	sadd.s32 s6, s19  }
0xa2: {  	s9 =	simm.s32 $0x0;
	s20 =	sshll.u32 s7, $0x1;
	s7 =	sadd.s32 s21, s5  }
0xa3: {  	[timem:s9], [sflag:s22] =	dma.local [hbm:s7], s20  }
0xa4: {  	_ =	swait.ge [sflag:s22], s20  }
0xa5: {  	s6 =	ssub.s32 $0x0, s20;
	[sflag:s22] =	ssyncset.done $0x0  }
0xa6: {  	[sflag:s22] =	ssyncadd.s32 s6;
	_ =	sdelay $0x1  }
0xa7: {  	s23 =	simm.s32 $0x1B8B  }
0xa8: {  	_ =	swait.ge [sflag:s23], $0x1  }
0xa9: {  	[sflag:s23] =	ssyncset.done $0x0  }
0xaa: {  	s25 =	simm.s32 $0x1B8E;
	s24 =	sld [smem:$0x3FFE];
	[sflag:s23] =	ssyncadd.s32 $0xFFFFFFFF  }
0xab: {  	s26 =	simm.s32 $execute0_lowered;
	[smem:$0x3FD2] =	sst s25  }
0xac: {  	s7 =	sshll.u32 s26, $0x1;
	_ =	strace $0x80000046;
	[dreg:$0x1] =	wrdreg $0xFFFFFFFF  }
0xad: {  	s28 =	simm.s32 $_size_execute0_lowered;
	s5 =	sadd.s32 s5, s7;
	[dreg:$0x0] =	wrdreg $0x0  }
0xae: {  	s7 =	sshll.u32 s28, $0x1;
	[dreg:$0x2] =	wrdreg s5  }
0xaf: {  	[dreg:$0x3] =	wrdreg s7  }
0xb0: {  	[dreg:$0x4] =	wrdreg $0xC0  }
0xb1: {  	_ =	task [dreg:s9], $0x5FFFF  }
0xb2: {  	[dreg:$0x1] =	wrdreg $0xFFFFFFFF  }
0xb3: {  	[dreg:$0x0] =	wrdreg $0x60  }
0xb4: {  	[dreg:$0x2] =	wrdreg s24  }
0xb5: {  	[dreg:$0x3] =	wrdreg s16  }
0xb6: {  	[dreg:$0x4] =	wrdreg s17  }
0xb7: {  	[dreg:$0x5] =	wrdreg s18  }
0xb8: {  	[dreg:$0x6] =	wrdreg $0x119400  }
0xb9: {  	[dreg:$0x7] =	wrdreg $0x9  }
0xba: {  	_ =	task.clear_ibuf [dreg:s9], $0x8FFFF;
	_ =	strace $0x90000046  }
0xbb: {  	s29 =	simm.s32 $0x9;
	_ =	strace $0x80000048  }
0xbc: {  	_ =	swait.ge [sflag:s29], $0x1  }
0xbd: {  	[sflag:s29] =	ssyncadd.s32 $0xFFFFFFFF  }
0xbe: {  	_ =	strace $0x90000048  }
0xbf: {  	_ =	sfence  }
0xc0: {  	s30 =	sld [smem:$0x0];
	_ =	sdelay $0x2  }
0xc1: {  	s31 =	sshll.u32 s1, $0xD;
	s1 =	sshrl.u32 s1, $0x2  }
0xc2: {  	s3 =	sand.u32 $0x4000, s31;
	s1 =	sadd.s32 s1, s30  }
0xc3: {  	s0 =	sor.u32 s3, s0;
	s1 =	sshll.u32 s1, $0x11  }
0xc4: {  	s0 =	sor.u32 s1, s0  }
0xc5: {  	s0 =	sadd.s32 $0x8F2B, s0  }
0xc6: {  	[sflag:s0] =	ssyncadd.remote.s32 $0x1  }
0xc7: {  	_ =	sfence.sel $0xFFFF  }
0xc8: {  	[dreg:$0x0] =	wrdreg $0xFFFFFFFF;
	(pc) =	sbr.abs _section_cstart, $3  }
0xc9: {  	[dreg:$0x1] =	wrdreg $0xFFFFFFFF  }
0xca: {  	_ =	task.clear_ibuf [dreg:s9], $0x2FFFF;
	_ =	strace $0x9FFFFFFF  }
0xcb: {  	(tm) =	ssettm $0x7FFFFFFF  }
tec
execute0_lowered:
.L_overlay_start_1:
0x0: {  	(tag) =	ssettag $0x1  }
0x1: {  	s4 =	rddreg [dreg:$0x0]  }
0x2: {  	s15 =	rddreg [dreg:$0x1]  }
0x3: {  	s14 =	rddreg [dreg:$0x2]  }
0x4: {  	s0 =	srdreg.scid;
	s16 =	rddreg [dreg:$0x3]  }
0x5: {  	s2 =	rddreg [dreg:$0x4];
	s1 =	stileid.u32;
	s3 =	simm.s32 $0x0  }
0x6: {  	s21 =	simm.s32 $0x7D0;
	s22 =	simm.s32 $0x1770;
	s23 =	simm.s32 $0x9C40  }
0x7: {  	s24 =	simm.s32 $0x1;
	s25 =	simm.s32 $0x2;
	s26 =	simm.s32 $0x0  }
0x8: {  	s10 =	sand.u32 $0x1, s0;
	s0 =	rddreg [dreg:$0x5];
	s13 =	smul.u32 $0x2780, s1  }
0x9: {  	[smem:$0x7FF] =	sst s3;
	s5 =	sshll.u32 s10, $0x4;
	s19 =	smul.u32 $0x27800, s10  }
0xa: {  	s4 =	sadd.s32 $0x4E2800, s4;
	s6 =	ssub.s32 $0x2, s10;
	s5 =	sor.u32 s1, s5  }
0xb: {  	s7 =	sshrl.u32 s6, $0x1;
	s5 =	smul.u32 $0x2710, s5;
	s19 =	sadd.s32 s13, s19  }
0xc: {  	_ =	strace $0x80000047;
	s18 =	ssub.s32 s6, s7;
	s19 =	sshrl.u32 s19, $0x3  }
0xd: {  	s17 =	sshrl.u32 s5, $0x3;
	s5 =	sadd.s32 s13, s2;
	s16 =	sadd.s32 s16, s19  }
0xe: {  	s19 =	simm.s32 $0x3;
	s9 =	sadd.s32 $0xFA, s17;
	s6 =	sadd.s32 s14, s17  }
0xf: {  	s7 =	sadd.s32 s15, s17;
	s11 =	sadd.s32 $0x1F4, s17;
	s20 =	sadd.s32 $0x2EE, s17  }
0x10: {  	s17 =	sadd.s32 $0x3E8, s17;
	s8 =	sadd.s32 s14, s9;
	s9 =	sadd.s32 s15, s9  }
0x11: {  	s10 =	sadd.s32 s14, s11;
	s11 =	sadd.s32 s15, s11;
	s12 =	sadd.s32 s14, s20  }
0x12: {  	s13 =	sadd.s32 s15, s20;
	s14 =	sadd.s32 s14, s17;
	s15 =	sadd.s32 s15, s17  }
0x13: {  	v0 =	vimm.f32 $0.0e+00;
	s17 =	smax.u32 s18, $0x1;
	s18 =	simm.s32 $0x1F40;
	s20 =	simm.s32 $0xFA0  }
.LBB2_1:
0x14: {  	s28 =	simm.s32 $0x40;
	s29 =	simm.s32 $0x0  }
.LBB2_2:
0x15: {  	p0 =	sne.s32 s28, $0x9DC0;
	[tilespmem:s29+$0x1F40] =	vst v0;
	s29 =	smov.u32 s28;
	s28 =	sadd.s32 $0x40, s28  }
.Ltmp0:
0x16: {  	(pc) =	sbr.rel @p0 .LBB2_2-.Ltmp0, $2  }
0x17: {  	_ =	sdelay $0x2  }
0x18: {  	s29 =	sshra.s32 s29, $0x2  }
0x19: {  	[tilespmem:s29+$0x1F40] =	vst v0  }
0x1a: {  	[spmem:s5] =	stream.linear.scatter [tilespmem:s18], [sflag:$0x3], $0x2780, $0x38;
	[tilespmem:$0x140C0] =	vst v63  }
0x1b: {  	_ =	swait.ge [sflag:s19], $0x2780  }
0x1c: {  	[sflag:s19] =	ssyncset.done $0x0  }
0x1d: {  	[sflag:s19] =	ssyncadd.s32 $0xFFFFD880  }
0x1e: {  	[bflag:$0x0] =	sbarrier.arrive $0xFFFF  }
0x1f: {  	[tilespmem:s3], [sflag:$0x3] =	stream.linear.gather [hbm4b:s6+s3], $0x7D0, $0x38;
	[tilespmem:$0x140C0] =	vst v63  }
0x20: {  	_ =	swait.ge [sflag:s19], $0x7D0  }
0x21: {  	[sflag:s19] =	ssyncset.done $0x0  }
0x22: {  	[sflag:s19] =	ssyncadd.s32 $0xFFFFF830  }
0x23: {  	[tilespmem:s20], [sflag:$0x3] =	stream.linear.gather [hbm4b:s7+s3], $0x7D0, $0x38;
	[tilespmem:$0x140C0] =	vst v63  }
0x24: {  	_ =	swait.ge [sflag:s19], $0x7D0  }
0x25: {  	[sflag:s19] =	ssyncset.done $0x0  }
0x26: {  	[sflag:s19] =	ssyncadd.s32 $0xFFFFF830  }
0x27: {  	[tilespmem:s18], [sflag:$0x1] =	stream.indirect.gather [hbm4b:s4+s21], $0x10, s3, s21, $0xb8;
	[tilespmem:$0x140C0] =	vst v63  }
0x28: {  	_ = 	snop  }
0x29: {  	[tilespmem:s21], [sflag:$0x3] =	stream.linear.gather [hbm4b:s8+s3], $0x7D0, $0x38;
	[tilespmem:$0x140C0] =	vst v63  }
0x2a: {  	_ =	swait.ge [sflag:s19], $0x7D0  }
0x2b: {  	[sflag:s19] =	ssyncset.done $0x0  }
0x2c: {  	[sflag:s19] =	ssyncadd.s32 $0xFFFFF830  }
0x2d: {  	[tilespmem:s22], [sflag:$0x3] =	stream.linear.gather [hbm4b:s9+s3], $0x7D0, $0x38;
	[tilespmem:$0x140C0] =	vst v63  }
0x2e: {  	_ =	swait.ge [sflag:s19], $0x7D0  }
0x2f: {  	[sflag:s19] =	ssyncset.done $0x0  }
0x30: {  	[sflag:s19] =	ssyncadd.s32 $0xFFFFF830  }
0x31: {  	[tilespmem:s23], [sflag:$0x2] =	stream.indirect.gather [hbm4b:s4+s21], $0x10, s21, s21, $0xb8;
	[tilespmem:$0x140C0] =	vst v63  }
0x32: {  	_ =	swait.ge [sflag:s24], $0x7D00  }
0x33: {  	[sflag:s24] =	ssyncset.done $0x0  }
0x34: {  	[sflag:s24] =	ssyncadd.s32 $0xFFFF8300  }
0x35: {  	[spmem:s2] =	stream.indirect.scatter.add.f32 [tilespmem:s18], [sflag:$0x3], $0x10, s20, s21, $0xb8;
	[tilespmem:$0x140C0] =	vst v63  }
0x36: {  	_ =	swait.ge [sflag:s19], $0x7D00  }
0x37: {  	[sflag:s19] =	ssyncset.done $0x0  }
0x38: {  	[sflag:s19] =	ssyncadd.s32 $0xFFFF8300  }
0x39: {  	[tilespmem:s3], [sflag:$0x3] =	stream.linear.gather [hbm4b:s10+s3], $0x7D0, $0x38;
	[tilespmem:$0x140C0] =	vst v63  }
0x3a: {  	_ =	swait.ge [sflag:s19], $0x7D0  }
0x3b: {  	[sflag:s19] =	ssyncset.done $0x0  }
0x3c: {  	[sflag:s19] =	ssyncadd.s32 $0xFFFFF830  }
0x3d: {  	[tilespmem:s20], [sflag:$0x3] =	stream.linear.gather [hbm4b:s11+s3], $0x7D0, $0x38;
	[tilespmem:$0x140C0] =	vst v63  }
0x3e: {  	_ =	swait.ge [sflag:s19], $0x7D0  }
0x3f: {  	[sflag:s19] =	ssyncset.done $0x0  }
0x40: {  	[sflag:s19] =	ssyncadd.s32 $0xFFFFF830  }
0x41: {  	[tilespmem:s18], [sflag:$0x1] =	stream.indirect.gather [hbm4b:s4+s21], $0x10, s3, s21, $0xb8;
	[tilespmem:$0x140C0] =	vst v63  }
0x42: {  	_ =	swait.ge [sflag:s25], $0x7D00  }
0x43: {  	[sflag:s25] =	ssyncset.done $0x0  }
0x44: {  	[sflag:s25] =	ssyncadd.s32 $0xFFFF8300  }
0x45: {  	[spmem:s2] =	stream.indirect.scatter.add.f32 [tilespmem:s23], [sflag:$0x3], $0x10, s22, s21, $0xb8;
	[tilespmem:$0x140C0] =	vst v63  }
0x46: {  	_ =	swait.ge [sflag:s19], $0x7D00  }
0x47: {  	[sflag:s19] =	ssyncset.done $0x0  }
0x48: {  	[sflag:s19] =	ssyncadd.s32 $0xFFFF8300  }
0x49: {  	[tilespmem:s21], [sflag:$0x3] =	stream.linear.gather [hbm4b:s12+s3], $0x7D0, $0x38;
	[tilespmem:$0x140C0] =	vst v63  }
0x4a: {  	_ =	swait.ge [sflag:s19], $0x7D0  }
0x4b: {  	[sflag:s19] =	ssyncset.done $0x0  }
0x4c: {  	[sflag:s19] =	ssyncadd.s32 $0xFFFFF830  }
0x4d: {  	[tilespmem:s22], [sflag:$0x3] =	stream.linear.gather [hbm4b:s13+s3], $0x7D0, $0x38;
	[tilespmem:$0x140C0] =	vst v63  }
0x4e: {  	_ =	swait.ge [sflag:s19], $0x7D0  }
0x4f: {  	[sflag:s19] =	ssyncset.done $0x0  }
0x50: {  	[sflag:s19] =	ssyncadd.s32 $0xFFFFF830  }
0x51: {  	[tilespmem:s23], [sflag:$0x2] =	stream.indirect.gather [hbm4b:s4+s21], $0x10, s21, s21, $0xb8;
	[tilespmem:$0x140C0] =	vst v63  }
0x52: {  	_ =	swait.ge [sflag:s24], $0x7D00  }
0x53: {  	[sflag:s24] =	ssyncset.done $0x0  }
0x54: {  	[sflag:s24] =	ssyncadd.s32 $0xFFFF8300  }
0x55: {  	[spmem:s2] =	stream.indirect.scatter.add.f32 [tilespmem:s18], [sflag:$0x3], $0x10, s20, s21, $0xb8;
	[tilespmem:$0x140C0] =	vst v63  }
0x56: {  	_ =	swait.ge [sflag:s19], $0x7D00  }
0x57: {  	[sflag:s19] =	ssyncset.done $0x0  }
0x58: {  	[sflag:s19] =	ssyncadd.s32 $0xFFFF8300  }
0x59: {  	[tilespmem:s3], [sflag:$0x3] =	stream.linear.gather [hbm4b:s14+s3], $0x7D0, $0x38;
	[tilespmem:$0x140C0] =	vst v63  }
0x5a: {  	_ =	swait.ge [sflag:s19], $0x7D0  }
0x5b: {  	[sflag:s19] =	ssyncset.done $0x0  }
0x5c: {  	[sflag:s19] =	ssyncadd.s32 $0xFFFFF830  }
0x5d: {  	[tilespmem:s20], [sflag:$0x3] =	stream.linear.gather [hbm4b:s15+s3], $0x7D0, $0x38;
	[tilespmem:$0x140C0] =	vst v63  }
0x5e: {  	_ =	swait.ge [sflag:s19], $0x7D0  }
0x5f: {  	[sflag:s19] =	ssyncset.done $0x0  }
0x60: {  	[sflag:s19] =	ssyncadd.s32 $0xFFFFF830  }
0x61: {  	[tilespmem:s18], [sflag:$0x1] =	stream.indirect.gather [hbm4b:s4+s21], $0x10, s3, s21, $0xb8;
	[tilespmem:$0x140C0] =	vst v63  }
0x62: {  	_ =	swait.ge [sflag:s25], $0x7D00  }
0x63: {  	[sflag:s25] =	ssyncset.done $0x0  }
0x64: {  	[sflag:s25] =	ssyncadd.s32 $0xFFFF8300  }
0x65: {  	[spmem:s2] =	stream.indirect.scatter.add.f32 [tilespmem:s23], [sflag:$0x3], $0x10, s22, s21, $0xb8;
	[tilespmem:$0x140C0] =	vst v63  }
0x66: {  	_ =	swait.ge [sflag:s19], $0x7D00  }
0x67: {  	[sflag:s19] =	ssyncset.done $0x0  }
0x68: {  	[sflag:s19] =	ssyncadd.s32 $0xFFFF8300  }
0x69: {  	_ =	swait.ge [sflag:s24], $0x7D00  }
0x6a: {  	[sflag:s24] =	ssyncset.done $0x0  }
0x6b: {  	[sflag:s24] =	ssyncadd.s32 $0xFFFF8300  }
0x6c: {  	[spmem:s2] =	stream.indirect.scatter.add.f32 [tilespmem:s18], [sflag:$0x3], $0x10, s20, s21, $0xb8;
	[tilespmem:$0x140C0] =	vst v63  }
0x6d: {  	_ =	swait.ge [sflag:s19], $0x7D00  }
0x6e: {  	s28 =	sshll.u32 s1, $0x6;
	s26 =	sadd.s32 $0x1, s26;
	[sflag:s19] =	ssyncset.done $0x0  }
0x6f: {  	s31 =	sshrl.u32 s5, $0x3;
	p0 =	sne.s32 s26, s17;
	[sflag:s19] =	ssyncadd.s32 $0xFFFF8300  }
.Ltmp1:
0x70: {  	s28 =	sor.u32 $0x1C03, s28;
	[bflag:$0x0] =	sbarrier.arrive $0xFFFF;
	(pc) =	sbr.rel @p0 .LBB2_1-.Ltmp1, $4  }
0x71: {  	[hbm:s16], [sflag:s28] =	dma.local [spmem:s31], $0x4F0  }
0x72: {  	_ =	swait.ge [sflag:s19], $0x4F0  }
0x73: {  	[sflag:s19] =	ssyncset.done $0x0  }
0x74: {  	[sflag:s19] =	ssyncadd.s32 $0xFFFFFB10  }
0x75: {  	_ =	sfence.sel $0x180000  }
0x76: {  	[bflag:$0x0] =	sbarrier.arrive $0xFFFF  }
0x77: {  	p0 =	sne.s32 s1, $0x0;
	_ =	strace $0x90000047  }
0x78: {  	s0 =	sadd.s32 @!p0 $0x100000, s0;
	[bflag:$0x2] =	sbarrier.arrive $0xFFFF  }
0x79: {  	[sflag:s0] =	ssyncadd.tile.s32 @!p0 $0x1;
	_ =	shalt  }
.Lfunc_end2:
_tile_overlayer_lowered:
.L_overlay_start_2:
0x7a: {  	(tag) =	ssettag $0x2  }
0x7b: {  	s0 =	rddreg [dreg:$0x0];
	s2 =	stileid.u32  }
0x7c: {  	s1 =	rddreg [dreg:$0x1];
	p0 =	sne.s32 s2, $0x0  }
0x7d: {  	s3 =	rddreg [dreg:$0x2];
	[bflag:$0x3] =	sbarrier.arrive $0xFFFF;
	s2 =	simm.s32 @!p0 $0x1C03  }
0x7e: {  	[timem:s3], [sflag:s2] =	dma.local @!p0 [hbm:s0], s1  }
0x7f: {  	s0 =	simm.s32 @!p0 $0x3  }
0x80: {  	_ =	swait.ge @!p0 [sflag:s0], s1  }
0x81: {  	s1 =	ssub.s32 @!p0 $0x0, s1;
	[sflag:s0] =	ssyncset.done @!p0 $0x0  }
0x82: {  	[sflag:s0] =	ssyncadd.s32 @!p0 s1  }
0x83: {  	[bflag:$0x3] =	sbarrier.arrive $0xFFFF  }
0x84: {  	_ =	shalt  }

</sc_bundles>
